<compile_context>
chip_gen: v7x
topology: tpu7x:2x2x1
jax: 0.10.2.dev20260603
libtpu: 0.0.44.dev20260713+nightly
codegen_flags: <defaults>
</compile_context>

<pallas_src>
import jax
import jax.numpy as jnp
from jax import lax
from jax.experimental import pallas as pl
from jax.experimental.pallas import tpu as pltpu
from jax.experimental.pallas import tpu_sc as plsc

HIDDEN = 128
N_NODES = 10000
N_EDGES = 320000
N_GRAPHS = 16

NC = 2
NS = 16
NW = NC * NS
EDGES_PER_W = N_EDGES // NW
LANES = 16
E_VREGS = EDGES_PER_W // LANES

_NT = (((1,), (1,)), ((), ()))


def _lin_body(wrel_ref, wroot_ref, b_ref, x_ref, yrel_ref, z2_ref):
    x_blk = x_ref[...]
    x_hi = x_blk.astype(jnp.bfloat16)
    x_lo = (x_blk - x_hi.astype(jnp.float32)).astype(jnp.bfloat16)
    wrel_q = wrel_ref[...].astype(jnp.bfloat16)
    wroot_q = wroot_ref[...].astype(jnp.bfloat16)
    y = (lax.dot_general(wrel_q, x_hi, _NT, preferred_element_type=jnp.float32)
         + lax.dot_general(wrel_q, x_lo, _NT, preferred_element_type=jnp.float32))
    z = lax.dot_general(wroot_q, x_hi, _NT, preferred_element_type=jnp.float32)
    yrel_ref[...] = y.reshape(N_NODES)
    z2_ref[...] = (z + b_ref[...]).reshape(N_NODES)


def _linear(x, w_relT, w_rootT, b_rel):
    return pl.pallas_call(
        _lin_body,
        out_shape=[
            jax.ShapeDtypeStruct((N_NODES,), jnp.float32),
            jax.ShapeDtypeStruct((N_NODES,), jnp.float32),
        ],
    )(w_relT, w_rootT, b_rel, x)


E_SPAN = EDGES_PER_W + 112


def _sc_body(y_hbm, ei_hbm, zero_hbm, out_hbm, y_v, ei_v, e_v, sem):
    sc = lax.axis_index("c")
    sub = lax.axis_index("s")
    wid = sc * NS + sub
    base = wid * EDGES_PER_W
    aligned = (base // 128) * 128
    off = base - aligned

    c_y = pltpu.async_copy(y_hbm, y_v, sem)
    c_ei = pltpu.async_copy(ei_hbm.at[:, pl.ds(aligned, E_SPAN)], ei_v, sem)
    c_zero = pltpu.async_copy(zero_hbm, e_v, sem)
    c_y.wait()
    c_ei.wait()
    c_zero.wait()

    def edge_body(j):
        s16 = ei_v[0, pl.ds(off + j * LANES, LANES)]
        d16 = ei_v[1, pl.ds(off + j * LANES, LANES)]
        vals = plsc.load_gather(y_v, [s16])
        plsc.addupdate_scatter(e_v, [d16], vals)

    plsc.parallel_loop(0, E_VREGS, 1, unroll=8)(edge_body)

    pltpu.sync_copy(e_v, out_hbm.at[wid])


def _sc_aggregate(y_rel, ei, zero):
    mesh = plsc.VectorSubcoreMesh(core_axis_name="c", subcore_axis_name="s")
    kfn = pl.kernel(
        _sc_body,
        mesh=mesh,
        compiler_params=pltpu.CompilerParams(needs_layout_passes=False),
        out_type=jax.ShapeDtypeStruct((NW, N_NODES), jnp.float32),
        scratch_types=[
            pltpu.VMEM((N_NODES,), jnp.float32),
            pltpu.VMEM((2, E_SPAN), jnp.int32),
            pltpu.VMEM((N_NODES,), jnp.float32),
            pltpu.SemaphoreType.DMA,
        ],
    )
    return kfn(y_rel, ei, zero)


def _scores_body(parts_ref, z2_ref, batch_ref, out_ref):
    x_conv = (jnp.sum(parts_ref[...], axis=0, keepdims=True)
              + z2_ref[...].reshape(1, N_NODES))
    batch_b = jnp.broadcast_to(batch_ref[...].reshape(1, N_NODES),
                               (N_GRAPHS, N_NODES))
    gids = lax.broadcasted_iota(jnp.int32, (N_GRAPHS, N_NODES), 0)
    mask = batch_b == gids

    xb = jnp.broadcast_to(x_conv, (N_GRAPHS, N_NODES))
    neg_inf = jnp.float32(-jnp.inf)
    seg_max = jnp.max(jnp.where(mask, xb, neg_inf), axis=1, keepdims=True)
    seg_max = jnp.where(seg_max > neg_inf, seg_max, 0.0)

    mx_node = jnp.sum(
        jnp.where(mask, jnp.broadcast_to(seg_max, (N_GRAPHS, N_NODES)), 0.0),
        axis=0, keepdims=True)
    ex = jnp.exp(x_conv - mx_node)
    exb = jnp.broadcast_to(ex, (N_GRAPHS, N_NODES))
    denom = jnp.sum(jnp.where(mask, exb, 0.0), axis=1, keepdims=True)
    den_node = jnp.sum(
        jnp.where(mask, jnp.broadcast_to(denom, (N_GRAPHS, N_NODES)), 0.0),
        axis=0, keepdims=True)
    out_ref[...] = (ex / (den_node + 1e-16)).reshape(N_NODES)


def _scores(parts, z2, batch):
    return pl.pallas_call(
        _scores_body,
        out_shape=jax.ShapeDtypeStruct((N_NODES,), jnp.float32),
    )(parts, z2, batch)


def _pool_body(scores_ref, batch_ref, x_ref, out_ref):
    batch_b = jnp.broadcast_to(batch_ref[...].reshape(1, N_NODES),
                               (N_GRAPHS, N_NODES))
    gids = lax.broadcasted_iota(jnp.int32, (N_GRAPHS, N_NODES), 0)
    s_row = jnp.broadcast_to(scores_ref[...].reshape(1, N_NODES),
                             (N_GRAPHS, N_NODES))
    s_mat = jnp.where(batch_b == gids, s_row, 0.0)
    out_ref[...] = jnp.dot(s_mat, x_ref[...],
                           preferred_element_type=jnp.float32,
                           precision=lax.Precision.HIGHEST)


def _pool(scores, batch, x):
    return pl.pallas_call(
        _pool_body,
        out_shape=jax.ShapeDtypeStruct((N_GRAPHS, HIDDEN), jnp.float32),
    )(scores, batch, x)


@jax.jit
def kernel(x, edge_index, batch, W_rel, b_rel, W_root):
    x = x.astype(jnp.float32)
    ei = edge_index.astype(jnp.int32)
    batch_i = batch.astype(jnp.int32)
    zero = jnp.zeros((N_NODES,), jnp.float32)

    y_rel, z2 = _linear(x, W_rel.astype(jnp.float32).reshape(1, HIDDEN),
                        W_root.astype(jnp.float32).reshape(1, HIDDEN),
                        b_rel.astype(jnp.float32).reshape(1, 1))
    parts = _sc_aggregate(y_rel, ei, zero)
    scores = _scores(parts, z2, batch_i)
    return _pool(scores, batch_i, x)

# --- scband reference (transcript-rebuilt; emitter-appended) ---
"""Pipeline reference for scband-global-attention-pool-21964462752171 (READ-ONLY COPY).

The authoritative reference and input builder live on the scoring server;
editing this copy changes nothing except your own understanding.
"""

import jax, jax.numpy as jnp
import numpy as np

HIDDEN = 128
N_NODES = 10000
N_EDGES = 320000
N_GRAPHS = 16


def setup_inputs(seed: int = 0) -> dict:
    key = jax.random.key(seed)
    k1, k2, k3, k4, k5, k6 = jax.random.split(key, 6)
    x = jax.random.normal(k1, (N_NODES, HIDDEN), dtype=jnp.float32)
    edge_index = jax.random.randint(k2, (2, N_EDGES), 0, N_NODES, dtype=jnp.int64)
    batch = jnp.sort(jax.random.randint(k3, (N_NODES,), 0, N_GRAPHS, dtype=jnp.int64))
    # GraphConv(hidden_dim, 1): lin_rel (with bias) applied to aggregated neighbors,
    # lin_root (no bias) applied to self features.
    scale = 1.0 / np.sqrt(HIDDEN)
    W_rel = jax.random.normal(k4, (HIDDEN, 1), dtype=jnp.float32) * scale
    b_rel = jax.random.normal(k5, (1,), dtype=jnp.float32) * scale
    W_root = jax.random.normal(k6, (HIDDEN, 1), dtype=jnp.float32) * scale
    return {"x": x, "edge_index": edge_index, "batch": batch,
            "W_rel": W_rel, "b_rel": b_rel, "W_root": W_root}


def reference(x, edge_index, batch, W_rel, b_rel, W_root):
    n_nodes = x.shape[0]
    src = edge_index[0]
    dst = edge_index[1]
    # GraphConv with add aggregation: out_i = W_root^T x_i + W_rel^T (sum_{j->i} x_j) + b_rel
    agg = jax.ops.segment_sum(jnp.take(x, src, axis=0), dst, num_segments=n_nodes)
    x_conv = agg @ W_rel + b_rel + x @ W_root  # [N, 1]
    # segment softmax over batch (dim=0)
    seg_max = jax.ops.segment_max(x_conv, batch, num_segments=N_GRAPHS)
    seg_max = jnp.where(jnp.isfinite(seg_max), seg_max, 0.0)
    ex = jnp.exp(x_conv - jnp.take(seg_max, batch, axis=0))
    denom = jax.ops.segment_sum(ex, batch, num_segments=N_GRAPHS)
    scores = ex / (jnp.take(denom, batch, axis=0) + 1e-16)
    # global_add_pool(x * scores, batch)
    gx = jax.ops.segment_sum(x * scores, batch, num_segments=N_GRAPHS)
    return gx

if __name__ == "__main__":
    import jax
    _d = setup_inputs()
    print(jax.jit(kernel)(*tuple(_d.values())))

</pallas_src>

<mosaic_0001>
#map = affine_map<(d0, d1) -> (0)>
#map1 = affine_map<(d0, d1) -> (0, 0)>
module attributes {stable_mosaic.version = 14 : i64} {
  func.func @_sc_body(%arg0: i32, %arg1: i32, %arg2: memref<10000xf32, #tpu.memory_space<hbm>>, %arg3: memref<2x320000xi32, #tpu.memory_space<hbm>>, %arg4: memref<10000xf32, #tpu.memory_space<hbm>>, %arg5: memref<32x10000xf32, #tpu.memory_space<hbm>>, %arg6: memref<10000xf32, #tpu.memory_space<vmem>>, %arg7: memref<2x10112xi32, #tpu.memory_space<vmem>>, %arg8: memref<10000xf32, #tpu.memory_space<vmem>>, %arg9: memref<!tpu.dma_semaphore, #tpu.memory_space<semaphore_mem>>) attributes {dimension_semantics = [#tpu.dimension_semantics<core_parallel>, #tpu.dimension_semantics<subcore_parallel>], iteration_bounds = array<i64: 2, 16>, scalar_prefetch = 0 : i64, scratch_operands = 4 : i64, tpu.core_type = #tpu.core_type<sc_vector_subcore>, window_params = [{transform_indices = #map}, {transform_indices = #map1}, {transform_indices = #map}, {transform_indices = #map1}]} {
    %mul3A = arith.constant 16 : i32
    %mul3A_0 = arith.muli %arg0, %mul3A : i32
    %add3A = arith.addi %mul3A_0, %arg1 : i32
    %mul3A_1 = arith.constant 10000 : i32
    %mul3A_2 = arith.muli %add3A, %mul3A_1 : i32
    %jit3A = arith.constant 128 : i32
    %div3A = arith.divsi %mul3A_2, %jit3A : i32
    %sign3A = arith.constant 0 : i32
    %sign3A_3 = arith.cmpi sgt, %mul3A_2, %sign3A : i32
    %sign3A_4 = arith.extui %sign3A_3 : i1 to i32
    %sign3A_5 = arith.constant 0 : i32
    %sign3A_6 = arith.cmpi slt, %mul3A_2, %sign3A_5 : i32
    %sign3A_7 = arith.extui %sign3A_6 : i1 to i32
    %sign3A_8 = arith.subi %sign3A_4, %sign3A_7 : i32
    %sign3A_9 = arith.constant 0 : i32
    %sign3A_10 = arith.cmpi sgt, %jit3A, %sign3A_9 : i32
    %sign3A_11 = arith.extui %sign3A_10 : i1 to i32
    %sign3A_12 = arith.constant 0 : i32
    %sign3A_13 = arith.cmpi slt, %jit3A, %sign3A_12 : i32
    %sign3A_14 = arith.extui %sign3A_13 : i1 to i32
    %sign3A_15 = arith.subi %sign3A_11, %sign3A_14 : i32
    %ne3A = arith.cmpi ne, %sign3A_8, %sign3A_15 : i32
    %rem3A = arith.remsi %mul3A_2, %jit3A : i32
    %ne3A_16 = arith.constant 0 : i32
    %ne3A_17 = arith.cmpi ne, %rem3A, %ne3A_16 : i32
    %and3A = arith.andi %ne3A, %ne3A_17 : i1
    %sub3A = arith.constant 1 : i32
    %sub3A_18 = arith.subi %div3A, %sub3A : i32
    %select_n3A = arith.select %and3A, %sub3A_18, %div3A : i32
    %mul3A_19 = arith.constant 128 : i32
    %mul3A_20 = arith.muli %select_n3A, %mul3A_19 : i32
    %sub3A_21 = arith.subi %mul3A_2, %mul3A_20 : i32
    tpu.enqueue_dma source(%arg2 : memref<10000xf32, #tpu.memory_space<hbm>>) target(%arg6 : memref<10000xf32, #tpu.memory_space<vmem>>) target_semaphore(%arg9 : memref<!tpu.dma_semaphore, #tpu.memory_space<semaphore_mem>>)
    %dma_start3A = arith.constant 0 : i32
    %dma_start3A_22 = tpu.memref_slice %arg3[%dma_start3A, %mul3A_20] : memref<2x320000xi32, #tpu.memory_space<hbm>> -> memref<2x10112xi32, #tpu.memory_space<hbm>>
    %dma_start3A_23 = arith.constant 0 : i32
    %dma_start3A_24 = tpu.memref_slice %arg3[%dma_start3A_23, %mul3A_20] : memref<2x320000xi32, #tpu.memory_space<hbm>> -> memref<2x10112xi32, #tpu.memory_space<hbm>>
    tpu.enqueue_dma source(%dma_start3A_24 : memref<2x10112xi32, #tpu.memory_space<hbm>>) target(%arg7 : memref<2x10112xi32, #tpu.memory_space<vmem>>) target_semaphore(%arg9 : memref<!tpu.dma_semaphore, #tpu.memory_space<semaphore_mem>>)
    tpu.enqueue_dma source(%arg4 : memref<10000xf32, #tpu.memory_space<hbm>>) target(%arg8 : memref<10000xf32, #tpu.memory_space<vmem>>) target_semaphore(%arg9 : memref<!tpu.dma_semaphore, #tpu.memory_space<semaphore_mem>>)
    tpu.wait_dma2 semaphore(%arg9 : memref<!tpu.dma_semaphore, #tpu.memory_space<semaphore_mem>>) src(%arg2 : memref<10000xf32, #tpu.memory_space<hbm>>) dst(%arg6 : memref<10000xf32, #tpu.memory_space<vmem>>)
    %dma_wait3A = arith.constant 0 : i32
    %dma_wait3A_25 = tpu.memref_slice %arg3[%dma_wait3A, %mul3A_20] : memref<2x320000xi32, #tpu.memory_space<hbm>> -> memref<2x10112xi32, #tpu.memory_space<hbm>>
    %dma_wait3A_26 = arith.constant 0 : i32
    %dma_wait3A_27 = tpu.memref_slice %arg3[%dma_wait3A_26, %mul3A_20] : memref<2x320000xi32, #tpu.memory_space<hbm>> -> memref<2x10112xi32, #tpu.memory_space<hbm>>
    tpu.wait_dma2 semaphore(%arg9 : memref<!tpu.dma_semaphore, #tpu.memory_space<semaphore_mem>>) src(%dma_wait3A_27 : memref<2x10112xi32, #tpu.memory_space<hbm>>) dst(%arg7 : memref<2x10112xi32, #tpu.memory_space<vmem>>)
    tpu.wait_dma2 semaphore(%arg9 : memref<!tpu.dma_semaphore, #tpu.memory_space<semaphore_mem>>) src(%arg4 : memref<10000xf32, #tpu.memory_space<hbm>>) dst(%arg8 : memref<10000xf32, #tpu.memory_space<vmem>>)
    %parallel_loop3A = arith.constant 0 : i32
    %parallel_loop3A_28 = arith.constant 625 : i32
    %parallel_loop3A_29 = arith.constant 1 : i32
    scf.for %parallel_loop3A_30 = %parallel_loop3A to %parallel_loop3A_28 step %parallel_loop3A_29  : i32 {
      %parallel_loop3A_31 = arith.constant 16 : i32
      %parallel_loop3A_32 = arith.muli %parallel_loop3A_30, %parallel_loop3A_31 : i32
      %parallel_loop3A_33 = arith.addi %sub3A_21, %parallel_loop3A_32 : i32
      %parallel_loop3A_34 = arith.constant 0 : i32
      %parallel_loop3A_35 = arith.index_cast %parallel_loop3A_34 : i32 to index
      %parallel_loop3A_36 = arith.index_cast %parallel_loop3A_33 : i32 to index
      %parallel_loop3A_37 = tpu.vector_load %arg7[%parallel_loop3A_35, %parallel_loop3A_36] {strides = array<i32>} : memref<2x10112xi32, #tpu.memory_space<vmem>>, vector<16xi32>,
      %parallel_loop3A_38 = arith.constant 16 : i32
      %parallel_loop3A_39 = arith.muli %parallel_loop3A_30, %parallel_loop3A_38 : i32
      %parallel_loop3A_40 = arith.addi %sub3A_21, %parallel_loop3A_39 : i32
      %parallel_loop3A_41 = arith.constant 1 : i32
      %parallel_loop3A_42 = arith.index_cast %parallel_loop3A_41 : i32 to index
      %parallel_loop3A_43 = arith.index_cast %parallel_loop3A_40 : i32 to index
      %parallel_loop3A_44 = tpu.vector_load %arg7[%parallel_loop3A_42, %parallel_loop3A_43] {strides = array<i32>} : memref<2x10112xi32, #tpu.memory_space<vmem>>, vector<16xi32>,
      %parallel_loop3A_45 = tpu.vector_load_idx %arg6[%parallel_loop3A_37] : memref<10000xf32, #tpu.memory_space<vmem>>[vector<16xi32>], vector<16xf32>,
      tpu.vector_store_idx %arg8[%parallel_loop3A_44], %parallel_loop3A_45 {add = true} : memref<10000xf32, #tpu.memory_space<vmem>>[vector<16xi32>], vector<16xf32>,
    } {sc.loop_unroll_factor = 8 : i64, sc.parallel_access}
    "tpu.region"() ({
      %run_scoped3A = tpu.sem_alloc : memref<!tpu.dma_semaphore, #tpu.memory_space<semaphore_mem>>
      %dma_start3A_30 = arith.constant 0 : i32
      %dma_start3A_31 = tpu.memref_slice %arg5[%add3A, %dma_start3A_30] : memref<32x10000xf32, #tpu.memory_space<hbm>> -> memref<1x10000xf32, #tpu.memory_space<hbm>>
      %dma_start3A_32 = tpu.memref_squeeze %dma_start3A_31 : memref<1x10000xf32, #tpu.memory_space<hbm>> -> memref<10000xf32, #tpu.memory_space<hbm>>
      %dma_start3A_33 = arith.constant 0 : i32
      %dma_start3A_34 = tpu.memref_slice %arg5[%add3A, %dma_start3A_33] : memref<32x10000xf32, #tpu.memory_space<hbm>> -> memref<1x10000xf32, #tpu.memory_space<hbm>>
      %dma_start3A_35 = tpu.memref_squeeze %dma_start3A_34 : memref<1x10000xf32, #tpu.memory_space<hbm>> -> memref<10000xf32, #tpu.memory_space<hbm>>
      tpu.enqueue_dma source(%arg8 : memref<10000xf32, #tpu.memory_space<vmem>>) target(%dma_start3A_35 : memref<10000xf32, #tpu.memory_space<hbm>>) target_semaphore(%run_scoped3A : memref<!tpu.dma_semaphore, #tpu.memory_space<semaphore_mem>>)
      %dma_wait3A_36 = arith.constant 0 : i32
      %dma_wait3A_37 = tpu.memref_slice %arg5[%add3A, %dma_wait3A_36] : memref<32x10000xf32, #tpu.memory_space<hbm>> -> memref<1x10000xf32, #tpu.memory_space<hbm>>
      %dma_wait3A_38 = tpu.memref_squeeze %dma_wait3A_37 : memref<1x10000xf32, #tpu.memory_space<hbm>> -> memref<10000xf32, #tpu.memory_space<hbm>>
      %dma_wait3A_39 = arith.constant 0 : i32
      %dma_wait3A_40 = tpu.memref_slice %arg5[%add3A, %dma_wait3A_39] : memref<32x10000xf32, #tpu.memory_space<hbm>> -> memref<1x10000xf32, #tpu.memory_space<hbm>>
      %dma_wait3A_41 = tpu.memref_squeeze %dma_wait3A_40 : memref<1x10000xf32, #tpu.memory_space<hbm>> -> memref<10000xf32, #tpu.memory_space<hbm>>
      tpu.wait_dma2 semaphore(%run_scoped3A : memref<!tpu.dma_semaphore, #tpu.memory_space<semaphore_mem>>) src(%arg8 : memref<10000xf32, #tpu.memory_space<vmem>>) dst(%dma_wait3A_41 : memref<10000xf32, #tpu.memory_space<hbm>>)
      tpu.yield
    }) : () -> ()
    return
  }
}

module attributes {stable_mosaic.version = 14 : i64} {
  func.func @_lin_body(%arg0: memref<1x128xf32, #tpu.memory_space<vmem>>, %arg1: memref<1x128xf32, #tpu.memory_space<vmem>>, %arg2: memref<1x1xf32, #tpu.memory_space<vmem>>, %arg3: memref<10000x128xf32, #tpu.memory_space<vmem>>, %arg4: memref<10000xf32, #tpu.memory_space<vmem>>, %arg5: memref<10000xf32, #tpu.memory_space<vmem>>) attributes {dimension_semantics = [], scalar_prefetch = 0 : i64, scratch_operands = 0 : i64, tpu.core_type = #tpu.core_type<tc>} {
    %get3A = arith.constant 0 : index
    %get3A_0 = arith.constant 0 : index
    %get3A_1 = vector.load %arg3[%get3A, %get3A_0] : memref<10000x128xf32, #tpu.memory_space<vmem>>, vector<10000x128xf32>
    %convert_element_type3A = arith.truncf %get3A_1 : vector<10000x128xf32> to vector<10000x128xbf16>
    %convert_element_type3A_2 = arith.extf %convert_element_type3A : vector<10000x128xbf16> to vector<10000x128xf32>
    %sub3A = arith.subf %get3A_1, %convert_element_type3A_2 : vector<10000x128xf32>
    %convert_element_type3A_3 = arith.truncf %sub3A : vector<10000x128xf32> to vector<10000x128xbf16>
    %get3A_4 = arith.constant 0 : index
    %get3A_5 = arith.constant 0 : index
    %get3A_6 = vector.load %arg0[%get3A_4, %get3A_5] : memref<1x128xf32, #tpu.memory_space<vmem>>, vector<1x128xf32>
    %convert_element_type3A_7 = arith.truncf %get3A_6 : vector<1x128xf32> to vector<1x128xbf16>
    %get3A_8 = arith.constant 0 : index
    %get3A_9 = arith.constant 0 : index
    %get3A_10 = vector.load %arg1[%get3A_8, %get3A_9] : memref<1x128xf32, #tpu.memory_space<vmem>>, vector<1x128xf32>
    %convert_element_type3A_11 = arith.truncf %get3A_10 : vector<1x128xf32> to vector<1x128xbf16>
    %dot_general3A = arith.constant dense<0.000000e+00> : vector<1x10000xf32>
    %dot_general3A_12 = tpu.matmul %convert_element_type3A_7, %convert_element_type3A, %dot_general3A {dimension_numbers = #tpu.dot_dimension_numbers<[1], [1], [0], [0], [0, 0, 1, 0], [], []>, transpose_lhs_hint = false} : vector<1x128xbf16>, vector<10000x128xbf16>, vector<1x10000xf32> -> vector<1x10000xf32>
    %dot_general3A_13 = arith.constant dense<0.000000e+00> : vector<1x10000xf32>
    %dot_general3A_14 = tpu.matmul %convert_element_type3A_7, %convert_element_type3A_3, %dot_general3A_13 {dimension_numbers = #tpu.dot_dimension_numbers<[1], [1], [0], [0], [0, 0, 1, 0], [], []>, transpose_lhs_hint = false} : vector<1x128xbf16>, vector<10000x128xbf16>, vector<1x10000xf32> -> vector<1x10000xf32>
    %add3A = arith.addf %dot_general3A_12, %dot_general3A_14 : vector<1x10000xf32>
    %dot_general3A_15 = arith.constant dense<0.000000e+00> : vector<1x10000xf32>
    %dot_general3A_16 = tpu.matmul %convert_element_type3A_11, %convert_element_type3A, %dot_general3A_15 {dimension_numbers = #tpu.dot_dimension_numbers<[1], [1], [0], [0], [0, 0, 1, 0], [], []>, transpose_lhs_hint = false} : vector<1x128xbf16>, vector<10000x128xbf16>, vector<1x10000xf32> -> vector<1x10000xf32>
    %reshape3A = vector.shape_cast %add3A : vector<1x10000xf32> to vector<10000xf32>
    %swap3A = arith.constant 0 : index
    %swap3A_17 = vector.load %arg4[%swap3A] : memref<10000xf32, #tpu.memory_space<vmem>>, vector<10000xf32>
    tpu.vector_store %arg4[%swap3A], %reshape3A {strides = array<i32>} : memref<10000xf32, #tpu.memory_space<vmem>>, vector<10000xf32>,
    %get3A_18 = arith.constant 0 : index
    %get3A_19 = arith.constant 0 : index
    %get3A_20 = vector.load %arg2[%get3A_18, %get3A_19] : memref<1x1xf32, #tpu.memory_space<vmem>>, vector<1x1xf32>
    %add3A_21 = vector.broadcast %get3A_20 : vector<1x1xf32> to vector<1x10000xf32>
    %add3A_22 = arith.addf %dot_general3A_16, %add3A_21 : vector<1x10000xf32>
    %reshape3A_23 = vector.shape_cast %add3A_22 : vector<1x10000xf32> to vector<10000xf32>
    %swap3A_24 = arith.constant 0 : index
    %swap3A_25 = vector.load %arg5[%swap3A_24] : memref<10000xf32, #tpu.memory_space<vmem>>, vector<10000xf32>
    tpu.vector_store %arg5[%swap3A_24], %reshape3A_23 {strides = array<i32>} : memref<10000xf32, #tpu.memory_space<vmem>>, vector<10000xf32>,
    return
  }
}

module attributes {stable_mosaic.version = 14 : i64} {
  func.func @_scores_body(%arg0: memref<32x10000xf32, #tpu.memory_space<vmem>>, %arg1: memref<10000xf32, #tpu.memory_space<vmem>>, %arg2: memref<10000xi32, #tpu.memory_space<vmem>>, %arg3: memref<10000xf32, #tpu.memory_space<vmem>>) attributes {dimension_semantics = [], scalar_prefetch = 0 : i64, scratch_operands = 0 : i64, tpu.core_type = #tpu.core_type<tc>} {
    %get3A = arith.constant 0 : index
    %get3A_0 = arith.constant 0 : index
    %get3A_1 = vector.load %arg0[%get3A, %get3A_0] : memref<32x10000xf32, #tpu.memory_space<vmem>>, vector<32x10000xf32>
    %reduce_sum3A = arith.constant dense<0.000000e+00> : vector<10000xf32>
    %reduce_sum3A_2 = vector.multi_reduction <add>, %get3A_1, %reduce_sum3A [0] : vector<32x10000xf32> to vector<10000xf32>
    %broadcast_in_dim3A = vector.shape_cast %reduce_sum3A_2 : vector<10000xf32> to vector<1x10000xf32>
    %get3A_3 = arith.constant 0 : index
    %get3A_4 = vector.load %arg1[%get3A_3] : memref<10000xf32, #tpu.memory_space<vmem>>, vector<10000xf32>
    %reshape3A = vector.shape_cast %get3A_4 : vector<10000xf32> to vector<1x10000xf32>
    %add3A = arith.addf %broadcast_in_dim3A, %reshape3A : vector<1x10000xf32>
    %get3A_5 = arith.constant 0 : index
    %get3A_6 = vector.load %arg2[%get3A_5] : memref<10000xi32, #tpu.memory_space<vmem>>, vector<10000xi32>
    %reshape3A_7 = vector.shape_cast %get3A_6 : vector<10000xi32> to vector<1x10000xi32>
    %broadcast_in_dim3A_8 = vector.shape_cast %reshape3A_7 : vector<1x10000xi32> to vector<1x10000xi32>
    %broadcast_in_dim3A_9 = vector.broadcast %broadcast_in_dim3A_8 : vector<1x10000xi32> to vector<16x10000xi32>
    %iota3A = tpu.iota {dimensions = array<i32: 0>} : vector<16x10000xi32>
    %eq3A = arith.cmpi eq, %broadcast_in_dim3A_9, %iota3A : vector<16x10000xi32>
    %broadcast_in_dim3A_10 = vector.shape_cast %add3A : vector<1x10000xf32> to vector<1x10000xf32>
    %broadcast_in_dim3A_11 = vector.broadcast %broadcast_in_dim3A_10 : vector<1x10000xf32> to vector<16x10000xf32>
    %jit3A = arith.constant 0xFF800000 : f32
    %broadcast_in_dim3A_12 = vector.broadcast %jit3A : f32 to vector<16x10000xf32>
    %select_n3A = arith.select %eq3A, %broadcast_in_dim3A_11, %broadcast_in_dim3A_12 : vector<16x10000xi1>, vector<16x10000xf32>
    %reduce_max3A = arith.constant dense<0xFF800000> : vector<16xf32>
    %reduce_max3A_13 = vector.multi_reduction <maximumf>, %select_n3A, %reduce_max3A [1] : vector<16x10000xf32> to vector<16xf32>
    %broadcast_in_dim3A_14 = vector.shape_cast %reduce_max3A_13 : vector<16xf32> to vector<16x1xf32>
    %gt3A = arith.constant 0xFF800000 : f32
    %gt3A_15 = vector.broadcast %gt3A : f32 to vector<16x1xf32>
    %gt3A_16 = arith.cmpf ogt, %broadcast_in_dim3A_14, %gt3A_15 : vector<16x1xf32>
    %jit3A_17 = arith.constant 0.000000e+00 : f32
    %broadcast_in_dim3A_18 = vector.broadcast %jit3A_17 : f32 to vector<16x1xf32>
    %select_n3A_19 = arith.select %gt3A_16, %broadcast_in_dim3A_14, %broadcast_in_dim3A_18 : vector<16x1xi1>, vector<16x1xf32>
    %broadcast_in_dim3A_20 = vector.shape_cast %select_n3A_19 : vector<16x1xf32> to vector<16x1xf32>
    %broadcast_in_dim3A_21 = vector.broadcast %broadcast_in_dim3A_20 : vector<16x1xf32> to vector<16x10000xf32>
    %jit3A_22 = arith.constant 0.000000e+00 : f32
    %broadcast_in_dim3A_23 = vector.broadcast %jit3A_22 : f32 to vector<16x10000xf32>
    %select_n3A_24 = arith.select %eq3A, %broadcast_in_dim3A_21, %broadcast_in_dim3A_23 : vector<16x10000xi1>, vector<16x10000xf32>
    %reduce_sum3A_25 = arith.constant dense<0.000000e+00> : vector<10000xf32>
    %reduce_sum3A_26 = vector.multi_reduction <add>, %select_n3A_24, %reduce_sum3A_25 [0] : vector<16x10000xf32> to vector<10000xf32>
    %broadcast_in_dim3A_27 = vector.shape_cast %reduce_sum3A_26 : vector<10000xf32> to vector<1x10000xf32>
    %sub3A = arith.subf %add3A, %broadcast_in_dim3A_27 : vector<1x10000xf32>
    %exp3A = math.exp %sub3A : vector<1x10000xf32>
    %broadcast_in_dim3A_28 = vector.shape_cast %exp3A : vector<1x10000xf32> to vector<1x10000xf32>
    %broadcast_in_dim3A_29 = vector.broadcast %broadcast_in_dim3A_28 : vector<1x10000xf32> to vector<16x10000xf32>
    %jit3A_30 = arith.constant 0.000000e+00 : f32
    %broadcast_in_dim3A_31 = vector.broadcast %jit3A_30 : f32 to vector<16x10000xf32>
    %select_n3A_32 = arith.select %eq3A, %broadcast_in_dim3A_29, %broadcast_in_dim3A_31 : vector<16x10000xi1>, vector<16x10000xf32>
    %reduce_sum3A_33 = arith.constant dense<0.000000e+00> : vector<16xf32>
    %reduce_sum3A_34 = vector.multi_reduction <add>, %select_n3A_32, %reduce_sum3A_33 [1] : vector<16x10000xf32> to vector<16xf32>
    %broadcast_in_dim3A_35 = vector.shape_cast %reduce_sum3A_34 : vector<16xf32> to vector<16x1xf32>
    %broadcast_in_dim3A_36 = vector.shape_cast %broadcast_in_dim3A_35 : vector<16x1xf32> to vector<16x1xf32>
    %broadcast_in_dim3A_37 = vector.broadcast %broadcast_in_dim3A_36 : vector<16x1xf32> to vector<16x10000xf32>
    %jit3A_38 = arith.constant 0.000000e+00 : f32
    %broadcast_in_dim3A_39 = vector.broadcast %jit3A_38 : f32 to vector<16x10000xf32>
    %select_n3A_40 = arith.select %eq3A, %broadcast_in_dim3A_37, %broadcast_in_dim3A_39 : vector<16x10000xi1>, vector<16x10000xf32>
    %reduce_sum3A_41 = arith.constant dense<0.000000e+00> : vector<10000xf32>
    %reduce_sum3A_42 = vector.multi_reduction <add>, %select_n3A_40, %reduce_sum3A_41 [0] : vector<16x10000xf32> to vector<10000xf32>
    %broadcast_in_dim3A_43 = vector.shape_cast %reduce_sum3A_42 : vector<10000xf32> to vector<1x10000xf32>
    %add3A_44 = arith.constant 1.000000e-16 : f32
    %add3A_45 = vector.broadcast %add3A_44 : f32 to vector<1x10000xf32>
    %add3A_46 = arith.addf %broadcast_in_dim3A_43, %add3A_45 : vector<1x10000xf32>
    %div3A = arith.divf %exp3A, %add3A_46 : vector<1x10000xf32>
    %reshape3A_47 = vector.shape_cast %div3A : vector<1x10000xf32> to vector<10000xf32>
    %swap3A = arith.constant 0 : index
    %swap3A_48 = vector.load %arg3[%swap3A] : memref<10000xf32, #tpu.memory_space<vmem>>, vector<10000xf32>
    tpu.vector_store %arg3[%swap3A], %reshape3A_47 {strides = array<i32>} : memref<10000xf32, #tpu.memory_space<vmem>>, vector<10000xf32>,
    return
  }
}

module attributes {stable_mosaic.version = 14 : i64} {
  func.func @_pool_body(%arg0: memref<10000xf32, #tpu.memory_space<vmem>>, %arg1: memref<10000xi32, #tpu.memory_space<vmem>>, %arg2: memref<10000x128xf32, #tpu.memory_space<vmem>>, %arg3: memref<16x128xf32, #tpu.memory_space<vmem>>) attributes {dimension_semantics = [], scalar_prefetch = 0 : i64, scratch_operands = 0 : i64, tpu.core_type = #tpu.core_type<tc>} {
    %get3A = arith.constant 0 : index
    %get3A_0 = vector.load %arg1[%get3A] : memref<10000xi32, #tpu.memory_space<vmem>>, vector<10000xi32>
    %reshape3A = vector.shape_cast %get3A_0 : vector<10000xi32> to vector<1x10000xi32>
    %broadcast_in_dim3A = vector.shape_cast %reshape3A : vector<1x10000xi32> to vector<1x10000xi32>
    %broadcast_in_dim3A_1 = vector.broadcast %broadcast_in_dim3A : vector<1x10000xi32> to vector<16x10000xi32>
    %iota3A = tpu.iota {dimensions = array<i32: 0>} : vector<16x10000xi32>
    %get3A_2 = arith.constant 0 : index
    %get3A_3 = vector.load %arg0[%get3A_2] : memref<10000xf32, #tpu.memory_space<vmem>>, vector<10000xf32>
    %reshape3A_4 = vector.shape_cast %get3A_3 : vector<10000xf32> to vector<1x10000xf32>
    %broadcast_in_dim3A_5 = vector.shape_cast %reshape3A_4 : vector<1x10000xf32> to vector<1x10000xf32>
    %broadcast_in_dim3A_6 = vector.broadcast %broadcast_in_dim3A_5 : vector<1x10000xf32> to vector<16x10000xf32>
    %eq3A = arith.cmpi eq, %broadcast_in_dim3A_1, %iota3A : vector<16x10000xi32>
    %jit3A = arith.constant 0.000000e+00 : f32
    %broadcast_in_dim3A_7 = vector.broadcast %jit3A : f32 to vector<16x10000xf32>
    %select_n3A = arith.select %eq3A, %broadcast_in_dim3A_6, %broadcast_in_dim3A_7 : vector<16x10000xi1>, vector<16x10000xf32>
    %get3A_8 = arith.constant 0 : index
    %get3A_9 = arith.constant 0 : index
    %get3A_10 = vector.load %arg2[%get3A_8, %get3A_9] : memref<10000x128xf32, #tpu.memory_space<vmem>>, vector<10000x128xf32>
    %dot_general3A = arith.constant dense<0.000000e+00> : vector<16x128xf32>
    %dot_general3A_11 = tpu.matmul %select_n3A, %get3A_10, %dot_general3A {dimension_numbers = #tpu.dot_dimension_numbers<[1], [0], [0], [1], [0, 0, 1, 1], [], []>, precision = #tpu.contract_precision<fp32>, transpose_lhs_hint = false} : vector<16x10000xf32>, vector<10000x128xf32>, vector<16x128xf32> -> vector<16x128xf32>
    %swap3A = arith.constant 0 : index
    %swap3A_12 = arith.constant 0 : index
    %swap3A_13 = vector.load %arg3[%swap3A, %swap3A_12] : memref<16x128xf32, #tpu.memory_space<vmem>>, vector<16x128xf32>
    tpu.vector_store %arg3[%swap3A, %swap3A_12], %dot_general3A_11 {strides = array<i32>} : memref<16x128xf32, #tpu.memory_space<vmem>>, vector<16x128xf32>,
    return
  }
}

</mosaic_0001>

<sc_bundles>
// kernel: kernel.6.cloned.1.call-start
scs
__scs_entry_jumppad:
0x0: {  	(pc) =	sbr.rel $0x88, $3  }
0x1: {  	(tag) =	ssettag $0x0;
	lr =	simm.s32 $0x1  }
0x2: {  	[smem:$0x3F9B] =	sst lr;
	_ =	strace $0xD0000000  }
0x3: {  	_ = 	snop  }
0x4: {  	_ = 	snop  }
0x5: {  	_ = 	snop  }
0x6: {  	_ = 	snop  }
0x7: {  	_ = 	snop  }
__scs_overlays_trampoline_lowered:
0x8: {  	[smem:$0x3FAA] =	sst s0  }
0x9: {  	[smem:$0x3FAB] =	sst s1  }
0xa: {  	[smem:$0x3FAC] =	sst s2  }
0xb: {  	[smem:$0x3FAD] =	sst s3  }
0xc: {  	[smem:$0x3FAE] =	sst s4  }
0xd: {  	[smem:$0x3FAF] =	sst s5  }
0xe: {  	[smem:$0x3FB0] =	sst s6  }
0xf: {  	[smem:$0x3FB1] =	sst s7  }
0x10: {  	[smem:$0x3FB2] =	sst s8  }
0x11: {  	[smem:$0x3FB3] =	sst s9;
	s0 =	simm.s32 @!p0 $0x0  }
0x12: {  	s1 =	sld [smem:$0x3F99];
	s0 =	simm.s32 @p0 $0x1  }
0x13: {  	[smem:$0x3FB4] =	sst s0;
	s0 =	simm.s32 @!p1 $0x0  }
0x14: {  	s2 =	sld [smem:$0x3F98];
	s0 =	simm.s32 @p1 $0x1  }
0x15: {  	[smem:$0x3FB5] =	sst s0;
	s0 =	simm.s32 @!p2 $0x0  }
0x16: {  	s3 =	sld [smem:$0x3FDB];
	s0 =	simm.s32 @p2 $0x1  }
0x17: {  	s4 =	simm.s32 $0x1BF5;
	[smem:$0x3FB7] =	sst s0  }
0x18: {  	s0 =	sld [smem:$0x3F9A];
	_ =	swait.ge [sflag:s4], $0x0  }
0x19: {  	s7 =	sld [smem:$0x3F9B]  }
0x1a: {  	s8 =	sadd.s32 $0xFFFFE003, lr  }
0x1b: {  	s9 =	sadd.s32 $0xFFFFFEF7, lr;
	s5 =	simm.s32 $0xFFFFFFFF;
	p2 =	slt.u32 s8, $0xFFFFF086  }
0x1c: {  	p1 =	slt.u32 s9, $0xF7A;
	s5 =	simm.s32 @!p2 $0x0  }
0x1d: {  	s5 =	simm.s32 @p1 $0x1;
	p0 =	seq.s32 s7, s2  }
0x1e: {  	s7 =	smul.u32 @!p0 $0xF7A, s2;
	p2 =	seq.s32 @!p0 s5, $0x0  }
0x1f: {  	s9 =	smul.u32 $0xF7A, s1;
	s8 =	simm.s32 @!p0 $0x1BF5;
	p2 =	por !p2, p0  }
0x20: {  	[sflag:s8] =	ssyncset.s32 @!p0 $0xFFFFF086;
	s6 =	sadd.s32 @!p0 s3, s7;
	s7 =	simm.s32 @!p0 $0x108  }
0x21: {  	s3 =	sadd.s32 s3, s9;
	s6 =	sadd.s32 @!p0 $0x88, s6;
	s7 =	simm.s32 @p2 $0x1082  }
0x22: {  	[simem:s7], [sflag:s8] =	dma.local @!p0 [hbm:s6], $0xF7A  }
0x23: {  	s9 =	sor.u32 $0xD0000000, s2;
	s6 =	simm.s32 $0x108;
	_ =	swait.ge @!p0 [sflag:s8], $0x0  }
0x24: {  	s3 =	sadd.s32 $0x88, s3;
	s6 =	simm.s32 @!p1 $0x1082;
	[sflag:s4] =	ssyncset.s32 $0xFFFFF086  }
0x25: {  	[simem:s6], [sflag:s4] =	dma.local [hbm:s3], $0xF7A  }
0x26: {  	[smem:$0x3F9B] =	sst s1;
	(tag) =	ssettag s2;
	_ =	strace s9  }
0x27: {  	s1 =	sld [smem:$0x3FAB]  }
0x28: {  	s2 =	sld [smem:$0x3FAC]  }
0x29: {  	s4 =	sld [smem:$0x3FAE]  }
0x2a: {  	p0 =	seq.s32 s5, $0x0;
	s5 =	sld [smem:$0x3FAF]  }
0x2b: {  	s6 =	sld [smem:$0x3FB0]  }
0x2c: {  	s7 =	sld [smem:$0x3FB1]  }
0x2d: {  	s3 =	simm.s32 $0x108;
	s8 =	sld [smem:$0x3FB2]  }
0x2e: {  	s3 =	simm.s32 @!p0 $0x1082;
	s9 =	sld [smem:$0x3FB3]  }
0x2f: {  	lr =	sadd.s32 s0, s3;
	s0 =	sld [smem:$0x3FAA]  }
0x30: {  	s3 =	sld [smem:$0x3FAD]  }
0x31: {  	[smem:$0x3FB6] =	sst s10  }
0x32: {  	s10 =	sld [smem:$0x3FB4];
	_ =	sdelay $0x3  }
0x33: {  	p0 =	seq.s32 s10, $0x1;
	s10 =	sld [smem:$0x3FB6];
	_ =	sdelay $0x3  }
0x34: {  	[smem:$0x3FB6] =	sst s10  }
0x35: {  	s10 =	sld [smem:$0x3FB5];
	_ =	sdelay $0x3  }
0x36: {  	p1 =	seq.s32 s10, $0x1;
	s10 =	sld [smem:$0x3FB6];
	_ =	sdelay $0x3  }
0x37: {  	[smem:$0x3FB6] =	sst s10  }
0x38: {  	s10 =	sld [smem:$0x3FB7]  }
0x39: {  	_ = 	snop;
	(pc) =	sbr.ind lr, $3  }
0x3a: {  	_ = 	snop  }
0x3b: {  	_ = 	snop  }
0x3c: {  	p2 =	seq.s32 s10, $0x1;
	s10 =	sld [smem:$0x3FB6]  }
0x3d: {  	_ =	shalt  }
0x3e: {  	_ =	shalt  }
0x3f: {  	_ =	shalt  }
0x40: {  	_ =	shalt  }
0x41: {  	_ =	shalt  }
0x42: {  	_ =	shalt  }
0x43: {  	_ =	shalt  }
0x44: {  	_ =	shalt  }
0x45: {  	_ =	shalt  }
0x46: {  	_ =	shalt  }
0x47: {  	_ =	shalt  }
0x48: {  	_ =	shalt  }
0x49: {  	_ =	shalt  }
0x4a: {  	_ =	shalt  }
0x4b: {  	_ =	shalt  }
0x4c: {  	_ =	shalt  }
0x4d: {  	_ =	shalt  }
0x4e: {  	_ =	shalt  }
0x4f: {  	_ =	shalt  }
0x50: {  	_ =	shalt  }
0x51: {  	_ =	shalt  }
0x52: {  	_ =	shalt  }
0x53: {  	_ =	shalt  }
0x54: {  	_ =	shalt  }
0x55: {  	_ =	shalt  }
0x56: {  	_ =	shalt  }
0x57: {  	_ =	shalt  }
0x58: {  	_ =	shalt  }
0x59: {  	_ =	shalt  }
0x5a: {  	_ =	shalt  }
0x5b: {  	_ =	shalt  }
0x5c: {  	_ =	shalt  }
0x5d: {  	_ =	shalt  }
0x5e: {  	_ =	shalt  }
0x5f: {  	_ =	shalt  }
0x60: {  	_ =	shalt  }
0x61: {  	_ =	shalt  }
0x62: {  	_ =	shalt  }
0x63: {  	_ =	shalt  }
0x64: {  	_ =	shalt  }
0x65: {  	_ =	shalt  }
0x66: {  	_ =	shalt  }
0x67: {  	_ =	shalt  }
0x68: {  	_ =	shalt  }
0x69: {  	_ =	shalt  }
0x6a: {  	_ =	shalt  }
0x6b: {  	_ =	shalt  }
0x6c: {  	_ =	shalt  }
0x6d: {  	_ =	shalt  }
0x6e: {  	_ =	shalt  }
0x6f: {  	_ =	shalt  }
0x70: {  	_ =	shalt  }
0x71: {  	_ =	shalt  }
0x72: {  	_ =	shalt  }
0x73: {  	_ =	shalt  }
0x74: {  	_ =	shalt  }
0x75: {  	_ =	shalt  }
0x76: {  	_ =	shalt  }
0x77: {  	_ =	shalt  }
0x78: {  	_ =	shalt  }
0x79: {  	_ =	shalt  }
0x7a: {  	_ =	shalt  }
0x7b: {  	_ =	shalt  }
0x7c: {  	_ =	shalt  }
0x7d: {  	_ =	shalt  }
0x7e: {  	_ =	shalt  }
0x7f: {  	_ =	shalt  }
0x80: {  	_ =	shalt  }
0x81: {  	_ =	shalt  }
0x82: {  	_ =	shalt  }
0x83: {  	_ =	shalt  }
0x84: {  	_ =	shalt  }
0x85: {  	_ =	shalt  }
0x86: {  	_ =	shalt  }
0x87: {  	_ =	shalt  }
.Lfunc_end0:
.L_simem_size_0:
called_computation_lowered:
.L_overlay_start_0:
0x88: {  	s2 =	sld [smem:$0x3FD9]  }
0x89: {  	s3 =	sld [smem:$0x3FFE];
	_ =	sdelay $0x1  }
0x8a: {  	s1 =	srdreg.scid  }
0x8b: {  	s0 =	sand.u32 $0x1, s1  }
0x8c: {  	s17 =	sshll.u32 s0, $0xA;
	s2 =	sadd.s32 s3, s2  }
0x8d: {  	s2 =	sadd.s32 s2, s17  }
0x8e: {  	[smem:$0x3FC2] =	sst s2  }
0x8f: {  	_ = 	snop  }
0x90: {  	s2 =	sld [smem:$0x3FC8];
	(tm) =	ssettm $0x1  }
0x91: {  	s18 =	sld [smem:$0x3FFB];
	_ =	sdelay $0x3  }
0x92: {  	_ =	strace s18  }
0x93: {  	s3 =	sld [smem:$0x3FFC];
	_ =	sdelay $0x3  }
0x94: {  	_ =	strace s3  }
0x95: {  	s3 =	sld [smem:$0x3FFD];
	_ =	sdelay $0x3  }
0x96: {  	_ =	strace s3  }
0x97: {  	_ =	strace $0x8FFFFFFF  }
0x98: {  	s19 =	sld [smem:$0x3FDB];
	_ =	sdelay $0x1  }
0x99: {  	s4 =	simm.s32 $_scs_section_size  }
0x9a: {  	s5 =	simm.s32 $_size__tile_overlayer_lowered;
	s6 =	simm.s32 $_tile_overlayer_lowered  }
0x9b: {  	s22 =	simm.s32 $0x1BFF;
	s21 =	sshll.u32 s6, $0x1;
	s3 =	sadd.s32 s4, s19  }
0x9c: {  	s7 =	simm.s32 $0x0;
	s20 =	sshll.u32 s5, $0x1;
	s5 =	sadd.s32 s21, s3  }
0x9d: {  	[timem:s7], [sflag:s22] =	dma.local [hbm:s5], s20  }
0x9e: {  	_ =	swait.ge [sflag:s22], s20  }
0x9f: {  	s4 =	ssub.s32 $0x0, s20;
	[sflag:s22] =	ssyncset.done $0x0  }
0xa0: {  	[sflag:s22] =	ssyncadd.s32 s4;
	_ =	sdelay $0x1  }
0xa1: {  	s23 =	simm.s32 $0x1B8B  }
0xa2: {  	_ =	swait.ge [sflag:s23], $0x1  }
0xa3: {  	[sflag:s23] =	ssyncset.done $0x0  }
0xa4: {  	s25 =	simm.s32 $0x1B8E;
	s24 =	sld [smem:$0x3FFE];
	[sflag:s23] =	ssyncadd.s32 $0xFFFFFFFF  }
0xa5: {  	s26 =	simm.s32 $execute0_lowered;
	[smem:$0x3FD2] =	sst s25  }
0xa6: {  	s5 =	sshll.u32 s26, $0x1;
	_ =	strace $0x80000046;
	[dreg:$0x1] =	wrdreg $0xFFFFFFFF  }
0xa7: {  	s28 =	simm.s32 $_size_execute0_lowered;
	s3 =	sadd.s32 s3, s5;
	[dreg:$0x0] =	wrdreg $0x0  }
0xa8: {  	s5 =	sshll.u32 s28, $0x1;
	[dreg:$0x2] =	wrdreg s3  }
0xa9: {  	[dreg:$0x3] =	wrdreg s5  }
0xaa: {  	[dreg:$0x4] =	wrdreg $0xC0  }
0xab: {  	_ =	task [dreg:s7], $0x5FFFF  }
0xac: {  	[dreg:$0x1] =	wrdreg $0xFFFFFFFF  }
0xad: {  	[dreg:$0x0] =	wrdreg $0x60  }
0xae: {  	[dreg:$0x2] =	wrdreg s24  }
0xaf: {  	[dreg:$0x3] =	wrdreg s2  }
0xb0: {  	[dreg:$0x4] =	wrdreg $0x9  }
0xb1: {  	_ =	task.clear_ibuf [dreg:s7], $0x5FFFF;
	_ =	strace $0x90000046  }
0xb2: {  	s29 =	simm.s32 $0x9;
	_ =	strace $0x80000048  }
0xb3: {  	_ =	swait.ge [sflag:s29], $0x1  }
0xb4: {  	[sflag:s29] =	ssyncadd.s32 $0xFFFFFFFF  }
0xb5: {  	_ =	strace $0x90000048  }
0xb6: {  	_ =	sfence  }
0xb7: {  	s30 =	sld [smem:$0x0];
	_ =	sdelay $0x2  }
0xb8: {  	s31 =	sshll.u32 s1, $0xD;
	s1 =	sshrl.u32 s1, $0x2  }
0xb9: {  	s3 =	sand.u32 $0x4000, s31;
	s1 =	sadd.s32 s1, s30  }
0xba: {  	s0 =	sor.u32 s3, s0;
	s1 =	sshll.u32 s1, $0x11  }
0xbb: {  	s0 =	sor.u32 s1, s0  }
0xbc: {  	s0 =	sadd.s32 $0x8F2B, s0  }
0xbd: {  	[sflag:s0] =	ssyncadd.remote.s32 $0x1  }
0xbe: {  	_ =	sfence.sel $0xFFFF  }
0xbf: {  	[dreg:$0x0] =	wrdreg $0xFFFFFFFF;
	(pc) =	sbr.abs _section_cstart, $3  }
0xc0: {  	[dreg:$0x1] =	wrdreg $0xFFFFFFFF  }
0xc1: {  	_ =	task.clear_ibuf [dreg:s7], $0x2FFFF;
	_ =	strace $0x9FFFFFFF  }
0xc2: {  	(tm) =	ssettm $0x7FFFFFFF  }
0xc3: {  	_ =	shalt  }
tec
execute0_lowered:
.L_overlay_start_1:
0x0: {  	(tag) =	ssettag $0x1  }
0x1: {  	s5 =	rddreg [dreg:$0x0]  }
0x2: {  	s0 =	srdreg.scid;
	s6 =	rddreg [dreg:$0x1]  }
0x3: {  	s2 =	simm.s32 $0x0;
	s4 =	sand.u32 $0x1, s0;
	s0 =	stileid.u32  }
0x4: {  	[smem:$0x7FF] =	sst s2;
	s1 =	sshll.u32 s4, $0x4;
	s16 =	sshll.u32 s0, $0x7  }
0x5: {  	s17 =	ssub.s32 $0x2, s4;
	s10 =	smul.u32 $0x2710, s0;
	s4 =	sadd.s32 $0x2000, s5  }
0x6: {  	s7 =	sor.u32 s0, s1;
	s1 =	rddreg [dreg:$0x2];
	_ =	strace $0x80000047  }
0x7: {  	s9 =	sand.u32 $0x380, s16;
	s3 =	sshrl.u32 s7, $0x3;
	s7 =	smul.u32 $0x2710, s7  }
0x8: {  	s18 =	sshrl.u32 s17, $0x1;
	s10 =	sshrl.u32 s10, $0x4;
	s8 =	smul.u32 $0x13C00, s3  }
0x9: {  	s3 =	sadd.s32 $0x1A00, s5;
	s20 =	sand.u32 $0x7, s10;
	s13 =	sadd.s32 $0xFFFFFFFF, s10  }
0xa: {  	s23 =	sadd.s32 $0x6, s10;
	s15 =	sadd.s32 $0x1, s10;
	s25 =	sadd.s32 $0x5, s10  }
0xb: {  	s11 =	sshrl.u32 s7, $0x2;
	s12 =	sshll.u32 s20, $0x7;
	s13 =	sand.u32 $0x7, s13  }
0xc: {  	s15 =	sand.u32 $0x7, s15;
	s8 =	sor.u32 s9, s8;
	s9 =	ssub.s32 s17, s18  }
0xd: {  	s19 =	sand.u32 $0x1FFE0, s11;
	s14 =	sadd.s32 $0x3FC, s12;
	s13 =	sshll.u32 s13, $0x6  }
0xe: {  	s11 =	sshll.u32 s20, $0x6;
	s22 =	sadd.s32 $0x300, s12;
	s16 =	sadd.s32 $0x80, s12  }
0xf: {  	s15 =	sshll.u32 s15, $0x6;
	s26 =	sadd.s32 $0x280, s12;
	s17 =	sadd.s32 $0x4, s10  }
0x10: {  	s28 =	sadd.s32 $0x200, s12;
	s18 =	sadd.s32 $0x2, s10;
	s29 =	sadd.s32 $0x100, s12  }
0x11: {  	s10 =	sadd.s32 $0x3, s10;
	s12 =	sadd.s32 $0x180, s12;
	s8 =	sshrl.u32 s8, $0x3  }
0x12: {  	s6 =	sadd.s32 s6, s19;
	s21 =	sand.u32 $0x400, s14;
	s14 =	sand.u32 $0x7, s23  }
0x13: {  	s16 =	sand.u32 $0x400, s16;
	s17 =	sand.u32 $0x7, s17;
	s18 =	sand.u32 $0x7, s18  }
0x14: {  	s10 =	sand.u32 $0x7, s10;
	s30 =	sand.u32 $0x400, s12;
	s11 =	sshrl.u32 s11, $0x2  }
0x15: {  	s8 =	sadd.s32 s8, s5;
	s5 =	sand.u32 $0x70, s7;
	s13 =	sor.u32 s13, s21  }
0x16: {  	s14 =	sshll.u32 s14, $0x6;
	s24 =	sor.u32 s15, s16;
	s15 =	sand.u32 $0x7, s25  }
0x17: {  	s7 =	sadd.s32 $0x2600, s8;
	s8 =	smax.u32 s9, $0x1;
	s9 =	sand.u32 $0x400, s22  }
0x18: {  	s15 =	sshll.u32 s15, $0x6;
	s14 =	sor.u32 s14, s9;
	s9 =	sand.u32 $0x400, s26  }
0x19: {  	s17 =	sshll.u32 s17, $0x6;
	s15 =	sor.u32 s15, s9;
	s9 =	sand.u32 $0x400, s28  }
0x1a: {  	s18 =	sshll.u32 s18, $0x6;
	s17 =	sor.u32 s17, s9;
	s9 =	sand.u32 $0x400, s29  }
0x1b: {  	s16 =	sor.u32 $0x200, s24;
	s31 =	sshrl.u32 s13, $0x2;
	s9 =	sor.u32 s18, s9  }
0x1c: {  	s10 =	sshll.u32 s10, $0x6;
	s16 =	sshrl.u32 s16, $0x2;
	v7 =	vmov s31;
	s18 =	sor.u32 $0x200, s9  }
0x1d: {  	v0 =	vmov s11;
	s11 =	simm.s32 $0x80;
	s12 =	sor.u32 s10, s30;
	v1 =	vmov s16;
	s18 =	sshrl.u32 s18, $0x2  }
0x1e: {  	s10 =	simm.s32 $0x1;
	s13 =	simm.s32 $0x2;
	s12 =	sshrl.u32 s12, $0x2;
	v2 =	vmov s18  }
0x1f: {  	s14 =	sshrl.u32 s14, $0x2;
	v3 =	vmov s12;
	s15 =	sshrl.u32 s15, $0x2;
	s17 =	sshrl.u32 s17, $0x2  }
0x20: {  	s12 =	simm.s32 $0x400;
	v6 =	vmov s14;
	s14 =	simm.s32 $0x0;
	v5 =	vmov s15;
	s9 =	simm.s32 $0x7680;
	v4 =	vmov s17  }
.LBB2_1:
0x21: {  	[tilespmem:s2], [sflag:$0x1] =	stream.linear.gather [hbm4b:s3+s2], $0x2780, $0x38;
	[tilespmem:$0x9E00] =	vst v63  }
0x22: {  	s15 =	simm.s32 $0x2780  }
0x23: {  	[tilespmem:s15], [sflag:$0x1] =	stream.linear.gather [hbm4b:s6+s2], $0x4F00, $0x38;
	[tilespmem:$0x9E00] =	vst v63  }
0x24: {  	_ = 	snop  }
0x25: {  	[tilespmem:s9], [sflag:$0x1] =	stream.linear.gather [hbm4b:s4+s2], $0x2780, $0x38;
	[tilespmem:$0x9E00] =	vst v63  }
0x26: {  	_ =	swait.ge [sflag:s10], $0x2780  }
0x27: {  	[sflag:s10] =	ssyncset.done $0x0  }
0x28: {  	[sflag:s10] =	ssyncadd.s32 $0xFFFFD880  }
0x29: {  	_ =	swait.ge [sflag:s10], $0x4F00  }
0x2a: {  	[sflag:s10] =	ssyncset.done $0x0  }
0x2b: {  	[sflag:s10] =	ssyncadd.s32 $0xFFFFB100  }
0x2c: {  	_ =	swait.ge [sflag:s10], $0x2780  }
0x2d: {  	[sflag:s10] =	ssyncset.done $0x0  }
0x2e: {  	[sflag:s10] =	ssyncadd.s32 $0xFFFFD880  }
0x2f: {  	v8 =	vld.idx.msk [tilespmem:v7+s15+$0x0 ss:$0x1], $0xffff  }
0x30: {  	v9 =	vld.idx.msk [tilespmem:v1+s15+$0xFFFFFF80 ss:$0x1], $0xffff  }
0x31: {  	v10 =	vld.idx.msk [tilespmem:v2+s15+$0xFFFFFF80 ss:$0x1], $0xffff  }
0x32: {  	v11 =	vld.idx.msk [tilespmem:v3+s15+$0x0 ss:$0x1], $0xffff  }
0x33: {  	v12 =	vld.idx.msk [tilespmem:v4+s15+$0x0 ss:$0x1], $0xffff  }
0x34: {  	v13 =	vld.idx.msk [tilespmem:v5+s15+$0x0 ss:$0x1], $0xffff  }
0x35: {  	v14 =	vld.idx.msk [tilespmem:v7+s15+$0x80 ss:$0x1], $0xffff  }
0x36: {  	v15 =	vld.idx.msk [tilespmem:v6+s15+$0x0 ss:$0x1], $0xffff  }
0x37: {  	v16 =	vld.idx.msk [tilespmem:v0+s15+$0x0 ss:$0x1], $0xffff  }
0x38: {  	v63 =	vld.idx.msk [tilespmem:v0+s15+$0x80 ss:$0x1], $0xffff  }
0x39: {  	v18 =	vld.idx.msk [tilespmem:v1+s15+$0x0 ss:$0x1], $0xffff  }
0x3a: {  	v19 =	vld.idx.msk [tilespmem:v2+s15+$0x0 ss:$0x1], $0xffff  }
0x3b: {  	v20 =	vld.idx.msk [tilespmem:v3+s15+$0x80 ss:$0x1], $0xffff  }
0x3c: {  	v21 =	vld.idx.msk [tilespmem:v4+s15+$0x80 ss:$0x1], $0xffff  }
0x3d: {  	v22 =	vld.idx.msk [tilespmem:v5+s15+$0x80 ss:$0x1], $0xffff  }
0x3e: {  	v8 =	vld.idx.msk [tilespmem:v8+s2+$0x0], $0xffff  }
0x3f: {  	v17 =	vld.idx.msk [tilespmem:v9+s2+$0x0], $0xffff  }
0x40: {  	v10 =	vld.idx.msk [tilespmem:v10+s2+$0x0], $0xffff  }
0x41: {  	v11 =	vld.idx.msk [tilespmem:v11+s2+$0x0], $0xffff  }
0x42: {  	v12 =	vld.idx.msk [tilespmem:v12+s2+$0x0], $0xffff  }
0x43: {  	v62 =	vld.idx.msk [tilespmem:v16+s2+$0x0], $0xffff  }
0x44: {  	v13 =	vld.idx.msk [tilespmem:v13+s2+$0x0], $0xffff  }
0x45: {  	v9 =	vld.idx.msk [tilespmem:v6+s15+$0x80 ss:$0x1], $0xffff  }
0x46: {  	[tilespmem:v14+s9+$0x0] =	vst.idx.add.f32.msk $0xffff, v8  }
0x47: {  	v8 =	vld.idx.msk [tilespmem:v15+s2+$0x0], $0xffff  }
0x48: {  	[tilespmem:v63+s9+$0x0] =	vst.idx.add.f32.msk $0xffff, v62  }
0x49: {  	[tilespmem:v18+s9+$0x0] =	vst.idx.add.f32.msk $0xffff, v17  }
0x4a: {  	[tilespmem:v19+s9+$0x0] =	vst.idx.add.f32.msk $0xffff, v10  }
0x4b: {  	[tilespmem:v20+s9+$0x0] =	vst.idx.add.f32.msk $0xffff, v11  }
0x4c: {  	[tilespmem:v21+s9+$0x0] =	vst.idx.add.f32.msk $0xffff, v12  }
0x4d: {  	s16 =	simm.s32 $0x2880;
	s15 =	simm.s32 $0x0;
	[tilespmem:v22+s9+$0x0] =	vst.idx.add.f32.msk $0xffff, v13  }
.LBB2_2:
0x4e: {  	v10 =	vld.idx.msk [tilespmem:v7+s16+$0x0 ss:$0x1], $0xffff;
	s15 =	sadd.s32 $0x8, s15  }
0x4f: {  	v11 =	vld.idx.msk [tilespmem:v1+s16+$0xFFFFFF80 ss:$0x1], $0xffff;
	p0 =	slt.u32 s15, $0x268  }
0x50: {  	v12 =	vld.idx.msk [tilespmem:v2+s16+$0xFFFFFF80 ss:$0x1], $0xffff  }
0x51: {  	v13 =	vld.idx.msk [tilespmem:v3+s16+$0x0 ss:$0x1], $0xffff  }
0x52: {  	v14 =	vld.idx.msk [tilespmem:v4+s16+$0x0 ss:$0x1], $0xffff  }
0x53: {  	v15 =	vld.idx.msk [tilespmem:v5+s16+$0x0 ss:$0x1], $0xffff  }
0x54: {  	v16 =	vld.idx.msk [tilespmem:v7+s16+$0x80 ss:$0x1], $0xffff  }
0x55: {  	v17 =	vld.idx.msk [tilespmem:v6+s16+$0x0 ss:$0x1], $0xffff  }
0x56: {  	v10 =	vld.idx.msk [tilespmem:v10+s2+$0x0], $0xffff  }
0x57: {  	v18 =	vld.idx.msk [tilespmem:v0+s16+$0x0 ss:$0x1], $0xffff  }
0x58: {  	v11 =	vld.idx.msk [tilespmem:v11+s2+$0x0], $0xffff  }
0x59: {  	v12 =	vld.idx.msk [tilespmem:v12+s2+$0x0], $0xffff  }
0x5a: {  	v13 =	vld.idx.msk [tilespmem:v13+s2+$0x0], $0xffff  }
0x5b: {  	v14 =	vld.idx.msk [tilespmem:v14+s2+$0x0], $0xffff  }
0x5c: {  	[tilespmem:v16+s9+$0x0] =	vst.idx.add.f32.msk $0xffff, v10  }
0x5d: {  	v10 =	vld.idx.msk [tilespmem:v15+s2+$0x0], $0xffff  }
0x5e: {  	v15 =	vld.idx.msk [tilespmem:v17+s2+$0x0], $0xffff  }
0x5f: {  	v16 =	vld.idx.msk [tilespmem:v18+s2+$0x0], $0xffff  }
0x60: {  	v17 =	vld.idx.msk [tilespmem:v0+s16+$0x80 ss:$0x1], $0xffff  }
0x61: {  	v18 =	vld.idx.msk [tilespmem:v1+s16+$0x0 ss:$0x1], $0xffff  }
0x62: {  	v19 =	vld.idx.msk [tilespmem:v2+s16+$0x0 ss:$0x1], $0xffff  }
0x63: {  	v20 =	vld.idx.msk [tilespmem:v3+s16+$0x80 ss:$0x1], $0xffff  }
0x64: {  	v21 =	vld.idx.msk [tilespmem:v4+s16+$0x80 ss:$0x1], $0xffff  }
0x65: {  	v22 =	vld.idx.msk [tilespmem:v5+s16+$0x80 ss:$0x1], $0xffff  }
0x66: {  	v23 =	vld.idx.msk [tilespmem:v6+s16+$0x80 ss:$0x1], $0xffff  }
0x67: {  	[tilespmem:v9+s9+$0x0] =	vst.idx.add.f32.msk $0xffff, v8;
	v8 =	vmov v15  }
0x68: {  	[tilespmem:v17+s9+$0x0] =	vst.idx.add.f32.msk $0xffff, v16  }
.Ltmp0:
0x69: {  	[tilespmem:v18+s9+$0x0] =	vst.idx.add.f32.msk $0xffff, v11;
	(pc) =	sbr.rel @p0 .LBB2_2-.Ltmp0, $4  }
0x6a: {  	[tilespmem:v19+s9+$0x0] =	vst.idx.add.f32.msk $0xffff, v12  }
0x6b: {  	[tilespmem:v20+s9+$0x0] =	vst.idx.add.f32.msk $0xffff, v13;
	v9 =	vmov v23  }
0x6c: {  	[tilespmem:v21+s9+$0x0] =	vst.idx.add.f32.msk $0xffff, v14  }
0x6d: {  	s16 =	sadd.s32 $0x100, s16;
	[tilespmem:v22+s9+$0x0] =	vst.idx.add.f32.msk $0xffff, v10  }
0x6e: {  	_ =	sdelay $0x3  }
0x6f: {  	[tilespmem:v9+s9+$0x0] =	vst.idx.add.f32.msk $0xffff, v8  }
0x70: {  	v8 =	vld [tilespmem:s5+$0x7580];
	_ =	sdelay $0x4  }
0x71: {  	v9 =	vld [tilespmem:s5+$0x7600];
	_ =	sdelay $0x2  }
0x72: {  	v8 =	vld.idx.msk [tilespmem:v8+s2+$0x0], $0xffff;
	_ =	sdelay $0x2  }
0x73: {  	s14 =	sadd.s32 $0x1, s14  }
0x74: {  	p0 =	sne.s32 s14, s8  }
.Ltmp1:
0x75: {  	[tilespmem:v9+s9+$0x0] =	vst.idx.add.f32.msk $0xffff, v8;
	(pc) =	sbr.rel @p0 .LBB2_1-.Ltmp1, $4  }
0x76: {  	[hbm4b:s7+s11] =	stream.strided.scatter [tilespmem:s9], [sflag:$0x2], $0x2780, s12, s11, $0x38;
	[tilespmem:$0x9E00] =	vst v63  }
0x77: {  	_ =	swait.ge [sflag:s13], $0x2780  }
0x78: {  	[sflag:s13] =	ssyncset.done $0x0  }
0x79: {  	[sflag:s13] =	ssyncadd.s32 $0xFFFFD880  }
0x7a: {  	_ =	sfence.sel $0x180000  }
0x7b: {  	[bflag:$0x0] =	sbarrier.arrive $0xFFFF  }
0x7c: {  	p0 =	sne.s32 s0, $0x0;
	_ =	strace $0x90000047  }
0x7d: {  	s0 =	sadd.s32 @!p0 $0x100000, s1;
	[bflag:$0x2] =	sbarrier.arrive $0xFFFF  }
0x7e: {  	[sflag:s0] =	ssyncadd.tile.s32 @!p0 $0x1;
	_ =	shalt  }
.Lfunc_end2:
_tile_overlayer_lowered:
.L_overlay_start_2:
0x7f: {  	(tag) =	ssettag $0x2  }
0x80: {  	s0 =	rddreg [dreg:$0x0];
	s2 =	stileid.u32  }
0x81: {  	s1 =	rddreg [dreg:$0x1];
	p0 =	sne.s32 s2, $0x0  }
0x82: {  	s3 =	rddreg [dreg:$0x2];
	[bflag:$0x3] =	sbarrier.arrive $0xFFFF;
	s2 =	simm.s32 @!p0 $0x1C02  }
0x83: {  	[timem:s3], [sflag:s2] =	dma.local @!p0 [hbm:s0], s1  }
0x84: {  	s0 =	simm.s32 @!p0 $0x2  }
0x85: {  	_ =	swait.ge @!p0 [sflag:s0], s1  }
0x86: {  	s1 =	ssub.s32 @!p0 $0x0, s1;
	[sflag:s0] =	ssyncset.done @!p0 $0x0  }
0x87: {  	[sflag:s0] =	ssyncadd.s32 @!p0 s1  }
0x88: {  	[bflag:$0x3] =	sbarrier.arrive $0xFFFF  }
0x89: {  	_ =	shalt  }

</sc_bundles>
